<compile_context>
chip_gen: v7x
topology: tpu7x:2x2x1
jax: 0.10.2.dev20260603
libtpu: 0.0.44.dev20260713+nightly
codegen_flags: <defaults>
</compile_context>

<pallas_src>
import functools

import jax
import jax.numpy as jnp
from jax import lax
from jax.experimental import pallas as pl
from jax.experimental.pallas import tpu as pltpu
from jax.experimental.pallas import tpu_sc as plsc

_NUM_ROWS = 100000
_BATCH = 16384
_D = 2

_info = plsc.get_sparse_core_info()
_NC, _NS = _info.num_cores, _info.num_subcores
_NW = _NC * _NS
_B_PER_W = _BATCH // _NW
_W_STAGE = 6272
_TAIL_OFF = 15 * _W_STAGE
_W_TAIL = 5888
_LAST_BLK = 99968
_BLK = 128
_ROW_STRIDE = 100096

_mesh = plsc.VectorSubcoreMesh(core_axis_name="c", subcore_axis_name="s")


@functools.partial(
    pl.kernel,
    mesh=_mesh,
    out_type=jax.ShapeDtypeStruct((_D, _BATCH), jnp.float32),
    scratch_types=[
        pltpu.VMEM((_B_PER_W,), jnp.int32),
        pltpu.VMEM((_B_PER_W,), jnp.float32),
        pltpu.VMEM((_B_PER_W,), jnp.float32),
        pltpu.VMEM((_D, _W_STAGE), jnp.float32),
        pltpu.VMEM_SHARED((_ROW_STRIDE * _D,), jnp.float32),
        pltpu.SemaphoreType.DMA,
        pltpu.SemaphoreType.DMA,
        pltpu.SemaphoreType.DMA,
    ],
)
def _gather_sc(x_hbm, tT_hbm, out_hbm, lbl_v, lat_v, lon_v, stg_v, tbl_sh,
               s0, s1, s2):
    cid = lax.axis_index("c")
    sid = lax.axis_index("s")
    wid = sid * _NC + cid
    lbl_cp = pltpu.async_copy(
        x_hbm.at[pl.ds(wid * _B_PER_W, _B_PER_W)], lbl_v, s0)

    @pl.when(sid < _NS - 1)
    def _stage_body():
        o = sid * _W_STAGE
        pltpu.sync_copy(tT_hbm.at[:, pl.ds(o, _W_STAGE)], stg_v)
        c0 = pltpu.async_copy(stg_v.at[0], tbl_sh.at[pl.ds(o, _W_STAGE)], s1)
        c1 = pltpu.async_copy(
            stg_v.at[1], tbl_sh.at[pl.ds(_ROW_STRIDE + o, _W_STAGE)], s2)
        c0.wait()
        c1.wait()

    @pl.when(sid == _NS - 1)
    def _stage_tail():
        pltpu.sync_copy(tT_hbm.at[:, pl.ds(_TAIL_OFF, _W_TAIL)],
                        stg_v.at[:, pl.ds(0, _W_TAIL)])
        pltpu.sync_copy(stg_v.at[0, pl.ds(0, _W_TAIL)],
                        tbl_sh.at[pl.ds(_TAIL_OFF, _W_TAIL)])
        pltpu.sync_copy(stg_v.at[1, pl.ds(0, _W_TAIL)],
                        tbl_sh.at[pl.ds(_ROW_STRIDE + _TAIL_OFF, _W_TAIL)])
        dyn = pl.multiple_of((sid - (_NS - 1)) * _BLK + _LAST_BLK, _BLK)
        pltpu.sync_copy(tT_hbm.at[:, pl.ds(dyn, _BLK)],
                        stg_v.at[:, pl.ds(0, _BLK)])
        pltpu.sync_copy(stg_v.at[0, pl.ds(0, _BLK)],
                        tbl_sh.at[pl.ds(_LAST_BLK, _BLK)])
        pltpu.sync_copy(stg_v.at[1, pl.ds(0, _BLK)],
                        tbl_sh.at[pl.ds(_ROW_STRIDE + _LAST_BLK, _BLK)])

    lbl_cp.wait()
    plsc.subcore_barrier()
    cp0 = pltpu.async_copy(tbl_sh.at[lbl_v], lat_v, s0)
    cp1 = pltpu.async_copy(
        tbl_sh.at[pl.ds(_ROW_STRIDE, _ROW_STRIDE)].at[lbl_v], lon_v, s1)
    cp0.wait()
    cp1.wait()
    w0 = pltpu.async_copy(
        lat_v, out_hbm.at[0, pl.ds(wid * _B_PER_W, _B_PER_W)], s0)
    w1 = pltpu.async_copy(
        lon_v, out_hbm.at[1, pl.ds(wid * _B_PER_W, _B_PER_W)], s1)
    w0.wait()
    w1.wait()


def kernel(x, id_to_gps):
    res = _gather_sc(x.astype(jnp.int32), id_to_gps.T)
    return res.T

# --- scband reference (transcript-rebuilt; emitter-appended) ---
"""Pipeline reference for scband-id-to-gps-44006234915351 (READ-ONLY COPY).

The authoritative reference and input builder live on the scoring server;
editing this copy changes nothing except your own understanding.
"""

import jax, jax.numpy as jnp
import numpy as np

NUM_IDS = 100000
BATCH = 16384

def setup_inputs(seed: int = 0) -> dict:
    key = jax.random.key(seed)
    k1, k2 = jax.random.split(key)
    # labels: int64 indices into the id->gps table
    x = jax.random.randint(k1, (BATCH,), 0, NUM_IDS, dtype=jnp.int32).astype(jnp.int64)
    # learned/loaded table mapping id -> (lat, lon); stand-in for torch.load(id_to_gps)
    id_to_gps = jax.random.uniform(k2, (NUM_IDS, 2), dtype=jnp.float32, minval=-1.0, maxval=1.0)
    return {"x": x, "id_to_gps": id_to_gps}

def reference(x, id_to_gps):
    # Faithful translation: labels = x (non-dict path); gps = self.id_to_gps[labels]
    gps = jnp.take(id_to_gps, x, axis=0)
    return gps

if __name__ == "__main__":
    import jax
    _d = setup_inputs()
    print(jax.jit(kernel)(*tuple(_d.values())))

</pallas_src>

<mosaic_0001>
#map = affine_map<(d0, d1) -> (0)>
#map1 = affine_map<(d0, d1) -> (0, 0)>
module attributes {stable_mosaic.version = 14 : i64} {
  func.func @_gather_sc(%arg0: i32, %arg1: i32, %arg2: memref<16384xi32, #tpu.memory_space<hbm>>, %arg3: memref<2x100000xf32, #tpu.memory_space<hbm>>, %arg4: memref<2x16384xf32, #tpu.memory_space<hbm>>, %arg5: memref<512xi32, #tpu.memory_space<vmem>>, %arg6: memref<512xf32, #tpu.memory_space<vmem>>, %arg7: memref<512xf32, #tpu.memory_space<vmem>>, %arg8: memref<2x6272xf32, #tpu.memory_space<vmem>>, %arg9: memref<200192xf32, #tpu.memory_space<vmem_shared>>, %arg10: memref<!tpu.dma_semaphore, #tpu.memory_space<semaphore_mem>>, %arg11: memref<!tpu.dma_semaphore, #tpu.memory_space<semaphore_mem>>, %arg12: memref<!tpu.dma_semaphore, #tpu.memory_space<semaphore_mem>>) attributes {dimension_semantics = [#tpu.dimension_semantics<core_parallel>, #tpu.dimension_semantics<subcore_parallel>], iteration_bounds = array<i64: 2, 16>, scalar_prefetch = 0 : i64, scratch_operands = 8 : i64, tpu.core_type = #tpu.core_type<sc_vector_subcore>, window_params = [{transform_indices = #map}, {transform_indices = #map1}, {transform_indices = #map1}]} {
    %mul3A = arith.constant 2 : i32
    %mul3A_0 = arith.muli %arg1, %mul3A : i32
    %add3A = arith.addi %mul3A_0, %arg0 : i32
    %mul3A_1 = arith.constant 512 : i32
    %mul3A_2 = arith.muli %add3A, %mul3A_1 : i32
    %dma_start3A = tpu.memref_slice %arg2[%mul3A_2] : memref<16384xi32, #tpu.memory_space<hbm>> -> memref<512xi32, #tpu.memory_space<hbm>>
    %dma_start3A_3 = tpu.memref_slice %arg2[%mul3A_2] : memref<16384xi32, #tpu.memory_space<hbm>> -> memref<512xi32, #tpu.memory_space<hbm>>
    tpu.enqueue_dma source(%dma_start3A_3 : memref<512xi32, #tpu.memory_space<hbm>>) target(%arg5 : memref<512xi32, #tpu.memory_space<vmem>>) target_semaphore(%arg10 : memref<!tpu.dma_semaphore, #tpu.memory_space<semaphore_mem>>)
    %lt3A = arith.constant 15 : i32
    %lt3A_4 = arith.cmpi slt, %arg1, %lt3A : i32
    %convert_element_type3A = arith.extui %lt3A_4 : i1 to i32
    %cond3A = arith.constant 0 : i32
    %cond3A_5 = arith.cmpi ne, %convert_element_type3A, %cond3A : i32
    scf.if %cond3A_5 {
      %mul3A_47 = arith.constant 6272 : i32
      %mul3A_48 = arith.muli %arg1, %mul3A_47 : i32
      "tpu.region"() ({
        %run_scoped3A = tpu.sem_alloc : memref<!tpu.dma_semaphore, #tpu.memory_space<semaphore_mem>>
        %dma_start3A_87 = arith.constant 0 : i32
        %dma_start3A_88 = tpu.memref_slice %arg3[%dma_start3A_87, %mul3A_48] : memref<2x100000xf32, #tpu.memory_space<hbm>> -> memref<2x6272xf32, #tpu.memory_space<hbm>>
        %dma_start3A_89 = arith.constant 0 : i32
        %dma_start3A_90 = tpu.memref_slice %arg3[%dma_start3A_89, %mul3A_48] : memref<2x100000xf32, #tpu.memory_space<hbm>> -> memref<2x6272xf32, #tpu.memory_space<hbm>>
        tpu.enqueue_dma source(%dma_start3A_90 : memref<2x6272xf32, #tpu.memory_space<hbm>>) target(%arg8 : memref<2x6272xf32, #tpu.memory_space<vmem>>) target_semaphore(%run_scoped3A : memref<!tpu.dma_semaphore, #tpu.memory_space<semaphore_mem>>)
        %dma_wait3A_91 = arith.constant 0 : i32
        %dma_wait3A_92 = tpu.memref_slice %arg3[%dma_wait3A_91, %mul3A_48] : memref<2x100000xf32, #tpu.memory_space<hbm>> -> memref<2x6272xf32, #tpu.memory_space<hbm>>
        %dma_wait3A_93 = arith.constant 0 : i32
        %dma_wait3A_94 = tpu.memref_slice %arg3[%dma_wait3A_93, %mul3A_48] : memref<2x100000xf32, #tpu.memory_space<hbm>> -> memref<2x6272xf32, #tpu.memory_space<hbm>>
        tpu.wait_dma2 semaphore(%run_scoped3A : memref<!tpu.dma_semaphore, #tpu.memory_space<semaphore_mem>>) src(%dma_wait3A_94 : memref<2x6272xf32, #tpu.memory_space<hbm>>) dst(%arg8 : memref<2x6272xf32, #tpu.memory_space<vmem>>)
        tpu.yield
      }) : () -> ()
      %dma_start3A_49 = arith.constant 0 : i32
      %dma_start3A_50 = arith.constant 0 : i32
      %dma_start3A_51 = tpu.memref_slice %arg8[%dma_start3A_49, %dma_start3A_50] : memref<2x6272xf32, #tpu.memory_space<vmem>> -> memref<1x6272xf32, #tpu.memory_space<vmem>>
      %dma_start3A_52 = tpu.memref_squeeze %dma_start3A_51 : memref<1x6272xf32, #tpu.memory_space<vmem>> -> memref<6272xf32, #tpu.memory_space<vmem>>
      %dma_start3A_53 = tpu.memref_slice %arg9[%mul3A_48] : memref<200192xf32, #tpu.memory_space<vmem_shared>> -> memref<6272xf32, #tpu.memory_space<vmem_shared>>
      %dma_start3A_54 = tpu.memref_slice %arg9[%mul3A_48] : memref<200192xf32, #tpu.memory_space<vmem_shared>> -> memref<6272xf32, #tpu.memory_space<vmem_shared>>
      %dma_start3A_55 = arith.constant 0 : i32
      %dma_start3A_56 = tpu.memref_slice %arg8[%dma_start3A_49, %dma_start3A_55] : memref<2x6272xf32, #tpu.memory_space<vmem>> -> memref<1x6272xf32, #tpu.memory_space<vmem>>
      %dma_start3A_57 = tpu.memref_squeeze %dma_start3A_56 : memref<1x6272xf32, #tpu.memory_space<vmem>> -> memref<6272xf32, #tpu.memory_space<vmem>>
      tpu.enqueue_dma source(%dma_start3A_57 : memref<6272xf32, #tpu.memory_space<vmem>>) target(%dma_start3A_54 : memref<6272xf32, #tpu.memory_space<vmem_shared>>) target_semaphore(%arg11 : memref<!tpu.dma_semaphore, #tpu.memory_space<semaphore_mem>>)
      %add3A_58 = arith.constant 100096 : i32
      %add3A_59 = arith.addi %add3A_58, %mul3A_48 : i32
      %dma_start3A_60 = arith.constant 1 : i32
      %dma_start3A_61 = arith.constant 0 : i32
      %dma_start3A_62 = tpu.memref_slice %arg8[%dma_start3A_60, %dma_start3A_61] : memref<2x6272xf32, #tpu.memory_space<vmem>> -> memref<1x6272xf32, #tpu.memory_space<vmem>>
      %dma_start3A_63 = tpu.memref_squeeze %dma_start3A_62 : memref<1x6272xf32, #tpu.memory_space<vmem>> -> memref<6272xf32, #tpu.memory_space<vmem>>
      %dma_start3A_64 = tpu.memref_slice %arg9[%add3A_59] : memref<200192xf32, #tpu.memory_space<vmem_shared>> -> memref<6272xf32, #tpu.memory_space<vmem_shared>>
      %dma_start3A_65 = tpu.memref_slice %arg9[%add3A_59] : memref<200192xf32, #tpu.memory_space<vmem_shared>> -> memref<6272xf32, #tpu.memory_space<vmem_shared>>
      %dma_start3A_66 = arith.constant 0 : i32
      %dma_start3A_67 = tpu.memref_slice %arg8[%dma_start3A_60, %dma_start3A_66] : memref<2x6272xf32, #tpu.memory_space<vmem>> -> memref<1x6272xf32, #tpu.memory_space<vmem>>
      %dma_start3A_68 = tpu.memref_squeeze %dma_start3A_67 : memref<1x6272xf32, #tpu.memory_space<vmem>> -> memref<6272xf32, #tpu.memory_space<vmem>>
      tpu.enqueue_dma source(%dma_start3A_68 : memref<6272xf32, #tpu.memory_space<vmem>>) target(%dma_start3A_65 : memref<6272xf32, #tpu.memory_space<vmem_shared>>) target_semaphore(%arg12 : memref<!tpu.dma_semaphore, #tpu.memory_space<semaphore_mem>>)
      %dma_wait3A_69 = arith.constant 0 : i32
      %dma_wait3A_70 = arith.constant 0 : i32
      %dma_wait3A_71 = tpu.memref_slice %arg8[%dma_wait3A_69, %dma_wait3A_70] : memref<2x6272xf32, #tpu.memory_space<vmem>> -> memref<1x6272xf32, #tpu.memory_space<vmem>>
      %dma_wait3A_72 = tpu.memref_squeeze %dma_wait3A_71 : memref<1x6272xf32, #tpu.memory_space<vmem>> -> memref<6272xf32, #tpu.memory_space<vmem>>
      %dma_wait3A_73 = tpu.memref_slice %arg9[%mul3A_48] : memref<200192xf32, #tpu.memory_space<vmem_shared>> -> memref<6272xf32, #tpu.memory_space<vmem_shared>>
      %dma_wait3A_74 = tpu.memref_slice %arg9[%mul3A_48] : memref<200192xf32, #tpu.memory_space<vmem_shared>> -> memref<6272xf32, #tpu.memory_space<vmem_shared>>
      %dma_wait3A_75 = arith.constant 0 : i32
      %dma_wait3A_76 = tpu.memref_slice %arg8[%dma_wait3A_69, %dma_wait3A_75] : memref<2x6272xf32, #tpu.memory_space<vmem>> -> memref<1x6272xf32, #tpu.memory_space<vmem>>
      %dma_wait3A_77 = tpu.memref_squeeze %dma_wait3A_76 : memref<1x6272xf32, #tpu.memory_space<vmem>> -> memref<6272xf32, #tpu.memory_space<vmem>>
      tpu.wait_dma2 semaphore(%arg11 : memref<!tpu.dma_semaphore, #tpu.memory_space<semaphore_mem>>) src(%dma_wait3A_77 : memref<6272xf32, #tpu.memory_space<vmem>>) dst(%dma_wait3A_74 : memref<6272xf32, #tpu.memory_space<vmem_shared>>)
      %dma_wait3A_78 = arith.constant 1 : i32
      %dma_wait3A_79 = arith.constant 0 : i32
      %dma_wait3A_80 = tpu.memref_slice %arg8[%dma_wait3A_78, %dma_wait3A_79] : memref<2x6272xf32, #tpu.memory_space<vmem>> -> memref<1x6272xf32, #tpu.memory_space<vmem>>
      %dma_wait3A_81 = tpu.memref_squeeze %dma_wait3A_80 : memref<1x6272xf32, #tpu.memory_space<vmem>> -> memref<6272xf32, #tpu.memory_space<vmem>>
      %dma_wait3A_82 = tpu.memref_slice %arg9[%add3A_59] : memref<200192xf32, #tpu.memory_space<vmem_shared>> -> memref<6272xf32, #tpu.memory_space<vmem_shared>>
      %dma_wait3A_83 = tpu.memref_slice %arg9[%add3A_59] : memref<200192xf32, #tpu.memory_space<vmem_shared>> -> memref<6272xf32, #tpu.memory_space<vmem_shared>>
      %dma_wait3A_84 = arith.constant 0 : i32
      %dma_wait3A_85 = tpu.memref_slice %arg8[%dma_wait3A_78, %dma_wait3A_84] : memref<2x6272xf32, #tpu.memory_space<vmem>> -> memref<1x6272xf32, #tpu.memory_space<vmem>>
      %dma_wait3A_86 = tpu.memref_squeeze %dma_wait3A_85 : memref<1x6272xf32, #tpu.memory_space<vmem>> -> memref<6272xf32, #tpu.memory_space<vmem>>
      tpu.wait_dma2 semaphore(%arg12 : memref<!tpu.dma_semaphore, #tpu.memory_space<semaphore_mem>>) src(%dma_wait3A_86 : memref<6272xf32, #tpu.memory_space<vmem>>) dst(%dma_wait3A_83 : memref<6272xf32, #tpu.memory_space<vmem_shared>>)
    } else {
    }
    %eq3A = arith.constant 15 : i32
    %eq3A_6 = arith.cmpi eq, %arg1, %eq3A : i32
    %convert_element_type3A_7 = arith.extui %eq3A_6 : i1 to i32
    %cond3A_8 = arith.constant 0 : i32
    %cond3A_9 = arith.cmpi ne, %convert_element_type3A_7, %cond3A_8 : i32
    scf.if %cond3A_9 {
      "tpu.region"() ({
        %run_scoped3A_55 = tpu.sem_alloc : memref<!tpu.dma_semaphore, #tpu.memory_space<semaphore_mem>>
        %dma_start3A_56 = arith.constant 0 : i32
        %dma_start3A_57 = arith.constant 0 : i32
        %dma_start3A_58 = tpu.memref_slice %arg8[%dma_start3A_56, %dma_start3A_57] : memref<2x6272xf32, #tpu.memory_space<vmem>> -> memref<2x5888xf32, #tpu.memory_space<vmem>>
        %dma_start3A_59 = arith.constant 0 : i32
        %dma_start3A_60 = arith.constant 94080 : i32
        %dma_start3A_61 = tpu.memref_slice %arg3[%dma_start3A_59, %dma_start3A_60] : memref<2x100000xf32, #tpu.memory_space<hbm>> -> memref<2x5888xf32, #tpu.memory_space<hbm>>
        %dma_start3A_62 = arith.constant 0 : i32
        %dma_start3A_63 = arith.constant 0 : i32
        %dma_start3A_64 = tpu.memref_slice %arg8[%dma_start3A_62, %dma_start3A_63] : memref<2x6272xf32, #tpu.memory_space<vmem>> -> memref<2x5888xf32, #tpu.memory_space<vmem>>
        %dma_start3A_65 = arith.constant 0 : i32
        %dma_start3A_66 = arith.constant 94080 : i32
        %dma_start3A_67 = tpu.memref_slice %arg3[%dma_start3A_65, %dma_start3A_66] : memref<2x100000xf32, #tpu.memory_space<hbm>> -> memref<2x5888xf32, #tpu.memory_space<hbm>>
        tpu.enqueue_dma source(%dma_start3A_67 : memref<2x5888xf32, #tpu.memory_space<hbm>>) target(%dma_start3A_64 : memref<2x5888xf32, #tpu.memory_space<vmem>>) target_semaphore(%run_scoped3A_55 : memref<!tpu.dma_semaphore, #tpu.memory_space<semaphore_mem>>)
        %dma_wait3A_68 = arith.constant 0 : i32
        %dma_wait3A_69 = arith.constant 0 : i32
        %dma_wait3A_70 = tpu.memref_slice %arg8[%dma_wait3A_68, %dma_wait3A_69] : memref<2x6272xf32, #tpu.memory_space<vmem>> -> memref<2x5888xf32, #tpu.memory_space<vmem>>
        %dma_wait3A_71 = arith.constant 0 : i32
        %dma_wait3A_72 = arith.constant 94080 : i32
        %dma_wait3A_73 = tpu.memref_slice %arg3[%dma_wait3A_71, %dma_wait3A_72] : memref<2x100000xf32, #tpu.memory_space<hbm>> -> memref<2x5888xf32, #tpu.memory_space<hbm>>
        %dma_wait3A_74 = arith.constant 0 : i32
        %dma_wait3A_75 = arith.constant 0 : i32
        %dma_wait3A_76 = tpu.memref_slice %arg8[%dma_wait3A_74, %dma_wait3A_75] : memref<2x6272xf32, #tpu.memory_space<vmem>> -> memref<2x5888xf32, #tpu.memory_space<vmem>>
        %dma_wait3A_77 = arith.constant 0 : i32
        %dma_wait3A_78 = arith.constant 94080 : i32
        %dma_wait3A_79 = tpu.memref_slice %arg3[%dma_wait3A_77, %dma_wait3A_78] : memref<2x100000xf32, #tpu.memory_space<hbm>> -> memref<2x5888xf32, #tpu.memory_space<hbm>>
        tpu.wait_dma2 semaphore(%run_scoped3A_55 : memref<!tpu.dma_semaphore, #tpu.memory_space<semaphore_mem>>) src(%dma_wait3A_79 : memref<2x5888xf32, #tpu.memory_space<hbm>>) dst(%dma_wait3A_76 : memref<2x5888xf32, #tpu.memory_space<vmem>>)
        tpu.yield
      }) : () -> ()
      %run_scoped3A = arith.constant 0 : i32
      "tpu.region"() ({
        %run_scoped3A_55 = tpu.sem_alloc : memref<!tpu.dma_semaphore, #tpu.memory_space<semaphore_mem>>
        %dma_start3A_56 = arith.constant 0 : i32
        %dma_start3A_57 = tpu.memref_slice %arg8[%run_scoped3A, %dma_start3A_56] : memref<2x6272xf32, #tpu.memory_space<vmem>> -> memref<1x5888xf32, #tpu.memory_space<vmem>>
        %dma_start3A_58 = tpu.memref_squeeze %dma_start3A_57 : memref<1x5888xf32, #tpu.memory_space<vmem>> -> memref<5888xf32, #tpu.memory_space<vmem>>
        %dma_start3A_59 = arith.constant 94080 : i32
        %dma_start3A_60 = tpu.memref_slice %arg9[%dma_start3A_59] : memref<200192xf32, #tpu.memory_space<vmem_shared>> -> memref<5888xf32, #tpu.memory_space<vmem_shared>>
        %dma_start3A_61 = arith.constant 94080 : i32
        %dma_start3A_62 = tpu.memref_slice %arg9[%dma_start3A_61] : memref<200192xf32, #tpu.memory_space<vmem_shared>> -> memref<5888xf32, #tpu.memory_space<vmem_shared>>
        %dma_start3A_63 = arith.constant 0 : i32
        %dma_start3A_64 = tpu.memref_slice %arg8[%run_scoped3A, %dma_start3A_63] : memref<2x6272xf32, #tpu.memory_space<vmem>> -> memref<1x5888xf32, #tpu.memory_space<vmem>>
        %dma_start3A_65 = tpu.memref_squeeze %dma_start3A_64 : memref<1x5888xf32, #tpu.memory_space<vmem>> -> memref<5888xf32, #tpu.memory_space<vmem>>
        tpu.enqueue_dma source(%dma_start3A_65 : memref<5888xf32, #tpu.memory_space<vmem>>) target(%dma_start3A_62 : memref<5888xf32, #tpu.memory_space<vmem_shared>>) target_semaphore(%run_scoped3A_55 : memref<!tpu.dma_semaphore, #tpu.memory_space<semaphore_mem>>)
        %dma_wait3A_66 = arith.constant 0 : i32
        %dma_wait3A_67 = tpu.memref_slice %arg8[%run_scoped3A, %dma_wait3A_66] : memref<2x6272xf32, #tpu.memory_space<vmem>> -> memref<1x5888xf32, #tpu.memory_space<vmem>>
        %dma_wait3A_68 = tpu.memref_squeeze %dma_wait3A_67 : memref<1x5888xf32, #tpu.memory_space<vmem>> -> memref<5888xf32, #tpu.memory_space<vmem>>
        %dma_wait3A_69 = arith.constant 94080 : i32
        %dma_wait3A_70 = tpu.memref_slice %arg9[%dma_wait3A_69] : memref<200192xf32, #tpu.memory_space<vmem_shared>> -> memref<5888xf32, #tpu.memory_space<vmem_shared>>
        %dma_wait3A_71 = arith.constant 94080 : i32
        %dma_wait3A_72 = tpu.memref_slice %arg9[%dma_wait3A_71] : memref<200192xf32, #tpu.memory_space<vmem_shared>> -> memref<5888xf32, #tpu.memory_space<vmem_shared>>
        %dma_wait3A_73 = arith.constant 0 : i32
        %dma_wait3A_74 = tpu.memref_slice %arg8[%run_scoped3A, %dma_wait3A_73] : memref<2x6272xf32, #tpu.memory_space<vmem>> -> memref<1x5888xf32, #tpu.memory_space<vmem>>
        %dma_wait3A_75 = tpu.memref_squeeze %dma_wait3A_74 : memref<1x5888xf32, #tpu.memory_space<vmem>> -> memref<5888xf32, #tpu.memory_space<vmem>>
        tpu.wait_dma2 semaphore(%run_scoped3A_55 : memref<!tpu.dma_semaphore, #tpu.memory_space<semaphore_mem>>) src(%dma_wait3A_75 : memref<5888xf32, #tpu.memory_space<vmem>>) dst(%dma_wait3A_72 : memref<5888xf32, #tpu.memory_space<vmem_shared>>)
        tpu.yield
      }) : () -> ()
      %run_scoped3A_47 = arith.constant 1 : i32
      "tpu.region"() ({
        %run_scoped3A_55 = tpu.sem_alloc : memref<!tpu.dma_semaphore, #tpu.memory_space<semaphore_mem>>
        %dma_start3A_56 = arith.constant 0 : i32
        %dma_start3A_57 = tpu.memref_slice %arg8[%run_scoped3A_47, %dma_start3A_56] : memref<2x6272xf32, #tpu.memory_space<vmem>> -> memref<1x5888xf32, #tpu.memory_space<vmem>>
        %dma_start3A_58 = tpu.memref_squeeze %dma_start3A_57 : memref<1x5888xf32, #tpu.memory_space<vmem>> -> memref<5888xf32, #tpu.memory_space<vmem>>
        %dma_start3A_59 = arith.constant 194176 : i32
        %dma_start3A_60 = tpu.memref_slice %arg9[%dma_start3A_59] : memref<200192xf32, #tpu.memory_space<vmem_shared>> -> memref<5888xf32, #tpu.memory_space<vmem_shared>>
        %dma_start3A_61 = arith.constant 194176 : i32
        %dma_start3A_62 = tpu.memref_slice %arg9[%dma_start3A_61] : memref<200192xf32, #tpu.memory_space<vmem_shared>> -> memref<5888xf32, #tpu.memory_space<vmem_shared>>
        %dma_start3A_63 = arith.constant 0 : i32
        %dma_start3A_64 = tpu.memref_slice %arg8[%run_scoped3A_47, %dma_start3A_63] : memref<2x6272xf32, #tpu.memory_space<vmem>> -> memref<1x5888xf32, #tpu.memory_space<vmem>>
        %dma_start3A_65 = tpu.memref_squeeze %dma_start3A_64 : memref<1x5888xf32, #tpu.memory_space<vmem>> -> memref<5888xf32, #tpu.memory_space<vmem>>
        tpu.enqueue_dma source(%dma_start3A_65 : memref<5888xf32, #tpu.memory_space<vmem>>) target(%dma_start3A_62 : memref<5888xf32, #tpu.memory_space<vmem_shared>>) target_semaphore(%run_scoped3A_55 : memref<!tpu.dma_semaphore, #tpu.memory_space<semaphore_mem>>)
        %dma_wait3A_66 = arith.constant 0 : i32
        %dma_wait3A_67 = tpu.memref_slice %arg8[%run_scoped3A_47, %dma_wait3A_66] : memref<2x6272xf32, #tpu.memory_space<vmem>> -> memref<1x5888xf32, #tpu.memory_space<vmem>>
        %dma_wait3A_68 = tpu.memref_squeeze %dma_wait3A_67 : memref<1x5888xf32, #tpu.memory_space<vmem>> -> memref<5888xf32, #tpu.memory_space<vmem>>
        %dma_wait3A_69 = arith.constant 194176 : i32
        %dma_wait3A_70 = tpu.memref_slice %arg9[%dma_wait3A_69] : memref<200192xf32, #tpu.memory_space<vmem_shared>> -> memref<5888xf32, #tpu.memory_space<vmem_shared>>
        %dma_wait3A_71 = arith.constant 194176 : i32
        %dma_wait3A_72 = tpu.memref_slice %arg9[%dma_wait3A_71] : memref<200192xf32, #tpu.memory_space<vmem_shared>> -> memref<5888xf32, #tpu.memory_space<vmem_shared>>
        %dma_wait3A_73 = arith.constant 0 : i32
        %dma_wait3A_74 = tpu.memref_slice %arg8[%run_scoped3A_47, %dma_wait3A_73] : memref<2x6272xf32, #tpu.memory_space<vmem>> -> memref<1x5888xf32, #tpu.memory_space<vmem>>
        %dma_wait3A_75 = tpu.memref_squeeze %dma_wait3A_74 : memref<1x5888xf32, #tpu.memory_space<vmem>> -> memref<5888xf32, #tpu.memory_space<vmem>>
        tpu.wait_dma2 semaphore(%run_scoped3A_55 : memref<!tpu.dma_semaphore, #tpu.memory_space<semaphore_mem>>) src(%dma_wait3A_75 : memref<5888xf32, #tpu.memory_space<vmem>>) dst(%dma_wait3A_72 : memref<5888xf32, #tpu.memory_space<vmem_shared>>)
        tpu.yield
      }) : () -> ()
      %sub3A = arith.constant 15 : i32
      %sub3A_48 = arith.subi %arg1, %sub3A : i32
      %mul3A_49 = arith.constant 128 : i32
      %mul3A_50 = arith.muli %sub3A_48, %mul3A_49 : i32
      %add3A_51 = arith.constant 99968 : i32
      %add3A_52 = arith.addi %mul3A_50, %add3A_51 : i32
      %multiple_of3A = tpu.assume_multiple %add3A_52, 128 : i32
      "tpu.region"() ({
        %run_scoped3A_55 = tpu.sem_alloc : memref<!tpu.dma_semaphore, #tpu.memory_space<semaphore_mem>>
        %dma_start3A_56 = arith.constant 0 : i32
        %dma_start3A_57 = arith.constant 0 : i32
        %dma_start3A_58 = tpu.memref_slice %arg8[%dma_start3A_56, %dma_start3A_57] : memref<2x6272xf32, #tpu.memory_space<vmem>> -> memref<2x128xf32, #tpu.memory_space<vmem>>
        %dma_start3A_59 = arith.constant 0 : i32
        %dma_start3A_60 = tpu.memref_slice %arg3[%dma_start3A_59, %multiple_of3A] : memref<2x100000xf32, #tpu.memory_space<hbm>> -> memref<2x128xf32, #tpu.memory_space<hbm>>
        %dma_start3A_61 = arith.constant 0 : i32
        %dma_start3A_62 = arith.constant 0 : i32
        %dma_start3A_63 = tpu.memref_slice %arg8[%dma_start3A_61, %dma_start3A_62] : memref<2x6272xf32, #tpu.memory_space<vmem>> -> memref<2x128xf32, #tpu.memory_space<vmem>>
        %dma_start3A_64 = arith.constant 0 : i32
        %dma_start3A_65 = tpu.memref_slice %arg3[%dma_start3A_64, %multiple_of3A] : memref<2x100000xf32, #tpu.memory_space<hbm>> -> memref<2x128xf32, #tpu.memory_space<hbm>>
        tpu.enqueue_dma source(%dma_start3A_65 : memref<2x128xf32, #tpu.memory_space<hbm>>) target(%dma_start3A_63 : memref<2x128xf32, #tpu.memory_space<vmem>>) target_semaphore(%run_scoped3A_55 : memref<!tpu.dma_semaphore, #tpu.memory_space<semaphore_mem>>)
        %dma_wait3A_66 = arith.constant 0 : i32
        %dma_wait3A_67 = arith.constant 0 : i32
        %dma_wait3A_68 = tpu.memref_slice %arg8[%dma_wait3A_66, %dma_wait3A_67] : memref<2x6272xf32, #tpu.memory_space<vmem>> -> memref<2x128xf32, #tpu.memory_space<vmem>>
        %dma_wait3A_69 = arith.constant 0 : i32
        %dma_wait3A_70 = tpu.memref_slice %arg3[%dma_wait3A_69, %multiple_of3A] : memref<2x100000xf32, #tpu.memory_space<hbm>> -> memref<2x128xf32, #tpu.memory_space<hbm>>
        %dma_wait3A_71 = arith.constant 0 : i32
        %dma_wait3A_72 = arith.constant 0 : i32
        %dma_wait3A_73 = tpu.memref_slice %arg8[%dma_wait3A_71, %dma_wait3A_72] : memref<2x6272xf32, #tpu.memory_space<vmem>> -> memref<2x128xf32, #tpu.memory_space<vmem>>
        %dma_wait3A_74 = arith.constant 0 : i32
        %dma_wait3A_75 = tpu.memref_slice %arg3[%dma_wait3A_74, %multiple_of3A] : memref<2x100000xf32, #tpu.memory_space<hbm>> -> memref<2x128xf32, #tpu.memory_space<hbm>>
        tpu.wait_dma2 semaphore(%run_scoped3A_55 : memref<!tpu.dma_semaphore, #tpu.memory_space<semaphore_mem>>) src(%dma_wait3A_75 : memref<2x128xf32, #tpu.memory_space<hbm>>) dst(%dma_wait3A_73 : memref<2x128xf32, #tpu.memory_space<vmem>>)
        tpu.yield
      }) : () -> ()
      %run_scoped3A_53 = arith.constant 0 : i32
      "tpu.region"() ({
        %run_scoped3A_55 = tpu.sem_alloc : memref<!tpu.dma_semaphore, #tpu.memory_space<semaphore_mem>>
        %dma_start3A_56 = arith.constant 0 : i32
        %dma_start3A_57 = tpu.memref_slice %arg8[%run_scoped3A_53, %dma_start3A_56] : memref<2x6272xf32, #tpu.memory_space<vmem>> -> memref<1x128xf32, #tpu.memory_space<vmem>>
        %dma_start3A_58 = tpu.memref_squeeze %dma_start3A_57 : memref<1x128xf32, #tpu.memory_space<vmem>> -> memref<128xf32, #tpu.memory_space<vmem>>
        %dma_start3A_59 = arith.constant 99968 : i32
        %dma_start3A_60 = tpu.memref_slice %arg9[%dma_start3A_59] : memref<200192xf32, #tpu.memory_space<vmem_shared>> -> memref<128xf32, #tpu.memory_space<vmem_shared>>
        %dma_start3A_61 = arith.constant 99968 : i32
        %dma_start3A_62 = tpu.memref_slice %arg9[%dma_start3A_61] : memref<200192xf32, #tpu.memory_space<vmem_shared>> -> memref<128xf32, #tpu.memory_space<vmem_shared>>
        %dma_start3A_63 = arith.constant 0 : i32
        %dma_start3A_64 = tpu.memref_slice %arg8[%run_scoped3A_53, %dma_start3A_63] : memref<2x6272xf32, #tpu.memory_space<vmem>> -> memref<1x128xf32, #tpu.memory_space<vmem>>
        %dma_start3A_65 = tpu.memref_squeeze %dma_start3A_64 : memref<1x128xf32, #tpu.memory_space<vmem>> -> memref<128xf32, #tpu.memory_space<vmem>>
        tpu.enqueue_dma source(%dma_start3A_65 : memref<128xf32, #tpu.memory_space<vmem>>) target(%dma_start3A_62 : memref<128xf32, #tpu.memory_space<vmem_shared>>) target_semaphore(%run_scoped3A_55 : memref<!tpu.dma_semaphore, #tpu.memory_space<semaphore_mem>>)
        %dma_wait3A_66 = arith.constant 0 : i32
        %dma_wait3A_67 = tpu.memref_slice %arg8[%run_scoped3A_53, %dma_wait3A_66] : memref<2x6272xf32, #tpu.memory_space<vmem>> -> memref<1x128xf32, #tpu.memory_space<vmem>>
        %dma_wait3A_68 = tpu.memref_squeeze %dma_wait3A_67 : memref<1x128xf32, #tpu.memory_space<vmem>> -> memref<128xf32, #tpu.memory_space<vmem>>
        %dma_wait3A_69 = arith.constant 99968 : i32
        %dma_wait3A_70 = tpu.memref_slice %arg9[%dma_wait3A_69] : memref<200192xf32, #tpu.memory_space<vmem_shared>> -> memref<128xf32, #tpu.memory_space<vmem_shared>>
        %dma_wait3A_71 = arith.constant 99968 : i32
        %dma_wait3A_72 = tpu.memref_slice %arg9[%dma_wait3A_71] : memref<200192xf32, #tpu.memory_space<vmem_shared>> -> memref<128xf32, #tpu.memory_space<vmem_shared>>
        %dma_wait3A_73 = arith.constant 0 : i32
        %dma_wait3A_74 = tpu.memref_slice %arg8[%run_scoped3A_53, %dma_wait3A_73] : memref<2x6272xf32, #tpu.memory_space<vmem>> -> memref<1x128xf32, #tpu.memory_space<vmem>>
        %dma_wait3A_75 = tpu.memref_squeeze %dma_wait3A_74 : memref<1x128xf32, #tpu.memory_space<vmem>> -> memref<128xf32, #tpu.memory_space<vmem>>
        tpu.wait_dma2 semaphore(%run_scoped3A_55 : memref<!tpu.dma_semaphore, #tpu.memory_space<semaphore_mem>>) src(%dma_wait3A_75 : memref<128xf32, #tpu.memory_space<vmem>>) dst(%dma_wait3A_72 : memref<128xf32, #tpu.memory_space<vmem_shared>>)
        tpu.yield
      }) : () -> ()
      %run_scoped3A_54 = arith.constant 1 : i32
      "tpu.region"() ({
        %run_scoped3A_55 = tpu.sem_alloc : memref<!tpu.dma_semaphore, #tpu.memory_space<semaphore_mem>>
        %dma_start3A_56 = arith.constant 0 : i32
        %dma_start3A_57 = tpu.memref_slice %arg8[%run_scoped3A_54, %dma_start3A_56] : memref<2x6272xf32, #tpu.memory_space<vmem>> -> memref<1x128xf32, #tpu.memory_space<vmem>>
        %dma_start3A_58 = tpu.memref_squeeze %dma_start3A_57 : memref<1x128xf32, #tpu.memory_space<vmem>> -> memref<128xf32, #tpu.memory_space<vmem>>
        %dma_start3A_59 = arith.constant 200064 : i32
        %dma_start3A_60 = tpu.memref_slice %arg9[%dma_start3A_59] : memref<200192xf32, #tpu.memory_space<vmem_shared>> -> memref<128xf32, #tpu.memory_space<vmem_shared>>
        %dma_start3A_61 = arith.constant 200064 : i32
        %dma_start3A_62 = tpu.memref_slice %arg9[%dma_start3A_61] : memref<200192xf32, #tpu.memory_space<vmem_shared>> -> memref<128xf32, #tpu.memory_space<vmem_shared>>
        %dma_start3A_63 = arith.constant 0 : i32
        %dma_start3A_64 = tpu.memref_slice %arg8[%run_scoped3A_54, %dma_start3A_63] : memref<2x6272xf32, #tpu.memory_space<vmem>> -> memref<1x128xf32, #tpu.memory_space<vmem>>
        %dma_start3A_65 = tpu.memref_squeeze %dma_start3A_64 : memref<1x128xf32, #tpu.memory_space<vmem>> -> memref<128xf32, #tpu.memory_space<vmem>>
        tpu.enqueue_dma source(%dma_start3A_65 : memref<128xf32, #tpu.memory_space<vmem>>) target(%dma_start3A_62 : memref<128xf32, #tpu.memory_space<vmem_shared>>) target_semaphore(%run_scoped3A_55 : memref<!tpu.dma_semaphore, #tpu.memory_space<semaphore_mem>>)
        %dma_wait3A_66 = arith.constant 0 : i32
        %dma_wait3A_67 = tpu.memref_slice %arg8[%run_scoped3A_54, %dma_wait3A_66] : memref<2x6272xf32, #tpu.memory_space<vmem>> -> memref<1x128xf32, #tpu.memory_space<vmem>>
        %dma_wait3A_68 = tpu.memref_squeeze %dma_wait3A_67 : memref<1x128xf32, #tpu.memory_space<vmem>> -> memref<128xf32, #tpu.memory_space<vmem>>
        %dma_wait3A_69 = arith.constant 200064 : i32
        %dma_wait3A_70 = tpu.memref_slice %arg9[%dma_wait3A_69] : memref<200192xf32, #tpu.memory_space<vmem_shared>> -> memref<128xf32, #tpu.memory_space<vmem_shared>>
        %dma_wait3A_71 = arith.constant 200064 : i32
        %dma_wait3A_72 = tpu.memref_slice %arg9[%dma_wait3A_71] : memref<200192xf32, #tpu.memory_space<vmem_shared>> -> memref<128xf32, #tpu.memory_space<vmem_shared>>
        %dma_wait3A_73 = arith.constant 0 : i32
        %dma_wait3A_74 = tpu.memref_slice %arg8[%run_scoped3A_54, %dma_wait3A_73] : memref<2x6272xf32, #tpu.memory_space<vmem>> -> memref<1x128xf32, #tpu.memory_space<vmem>>
        %dma_wait3A_75 = tpu.memref_squeeze %dma_wait3A_74 : memref<1x128xf32, #tpu.memory_space<vmem>> -> memref<128xf32, #tpu.memory_space<vmem>>
        tpu.wait_dma2 semaphore(%run_scoped3A_55 : memref<!tpu.dma_semaphore, #tpu.memory_space<semaphore_mem>>) src(%dma_wait3A_75 : memref<128xf32, #tpu.memory_space<vmem>>) dst(%dma_wait3A_72 : memref<128xf32, #tpu.memory_space<vmem_shared>>)
        tpu.yield
      }) : () -> ()
    } else {
    }
    %dma_wait3A = tpu.memref_slice %arg2[%mul3A_2] : memref<16384xi32, #tpu.memory_space<hbm>> -> memref<512xi32, #tpu.memory_space<hbm>>
    %dma_wait3A_10 = tpu.memref_slice %arg2[%mul3A_2] : memref<16384xi32, #tpu.memory_space<hbm>> -> memref<512xi32, #tpu.memory_space<hbm>>
    tpu.wait_dma2 semaphore(%arg10 : memref<!tpu.dma_semaphore, #tpu.memory_space<semaphore_mem>>) src(%dma_wait3A_10 : memref<512xi32, #tpu.memory_space<hbm>>) dst(%arg5 : memref<512xi32, #tpu.memory_space<vmem>>)
    %barrier3A = arith.constant 0 : index
    tpu.barrier barrier_id(%barrier3A)
    %dma_start3A_11 = arith.constant 0 : i32
    %dma_start3A_12 = tpu.memref_slice %arg9[%dma_start3A_11] : memref<200192xf32, #tpu.memory_space<vmem_shared>> -> memref<200192xf32, #tpu.memory_space<vmem_shared>>
    tpu.enqueue_indirect_dma source(%dma_start3A_12 : memref<200192xf32, #tpu.memory_space<vmem_shared>>) target(%arg6 : memref<512xf32, #tpu.memory_space<vmem>>) offsets(%arg5 : memref<512xi32, #tpu.memory_space<vmem>>) semaphore(%arg10 : memref<!tpu.dma_semaphore, #tpu.memory_space<semaphore_mem>>)
    %dma_start3A_13 = arith.constant 100096 : i32
    %dma_start3A_14 = tpu.memref_slice %arg9[%dma_start3A_13] : memref<200192xf32, #tpu.memory_space<vmem_shared>> -> memref<100096xf32, #tpu.memory_space<vmem_shared>>
    %dma_start3A_15 = arith.constant 0 : i32
    %dma_start3A_16 = tpu.memref_slice %dma_start3A_14[%dma_start3A_15] : memref<100096xf32, #tpu.memory_space<vmem_shared>> -> memref<100096xf32, #tpu.memory_space<vmem_shared>>
    tpu.enqueue_indirect_dma source(%dma_start3A_16 : memref<100096xf32, #tpu.memory_space<vmem_shared>>) target(%arg7 : memref<512xf32, #tpu.memory_space<vmem>>) offsets(%arg5 : memref<512xi32, #tpu.memory_space<vmem>>) semaphore(%arg11 : memref<!tpu.dma_semaphore, #tpu.memory_space<semaphore_mem>>)
    %dma_wait3A_17 = arith.constant 0 : i32
    %dma_wait3A_18 = tpu.memref_slice %arg9[%dma_wait3A_17] : memref<200192xf32, #tpu.memory_space<vmem_shared>> -> memref<200192xf32, #tpu.memory_space<vmem_shared>>
    tpu.wait_indirect_dma semaphore(%arg10 : memref<!tpu.dma_semaphore, #tpu.memory_space<semaphore_mem>>) src(%dma_wait3A_18 : memref<200192xf32, #tpu.memory_space<vmem_shared>>) dst(%arg6 : memref<512xf32, #tpu.memory_space<vmem>>)
    %dma_wait3A_19 = arith.constant 100096 : i32
    %dma_wait3A_20 = tpu.memref_slice %arg9[%dma_wait3A_19] : memref<200192xf32, #tpu.memory_space<vmem_shared>> -> memref<100096xf32, #tpu.memory_space<vmem_shared>>
    %dma_wait3A_21 = arith.constant 0 : i32
    %dma_wait3A_22 = tpu.memref_slice %dma_wait3A_20[%dma_wait3A_21] : memref<100096xf32, #tpu.memory_space<vmem_shared>> -> memref<100096xf32, #tpu.memory_space<vmem_shared>>
    tpu.wait_indirect_dma semaphore(%arg11 : memref<!tpu.dma_semaphore, #tpu.memory_space<semaphore_mem>>) src(%dma_wait3A_22 : memref<100096xf32, #tpu.memory_space<vmem_shared>>) dst(%arg7 : memref<512xf32, #tpu.memory_space<vmem>>)
    %mul3A_23 = arith.constant 512 : i32
    %mul3A_24 = arith.muli %add3A, %mul3A_23 : i32
    %dma_start3A_25 = arith.constant 0 : i32
    %dma_start3A_26 = tpu.memref_slice %arg4[%dma_start3A_25, %mul3A_24] : memref<2x16384xf32, #tpu.memory_space<hbm>> -> memref<1x512xf32, #tpu.memory_space<hbm>>
    %dma_start3A_27 = tpu.memref_squeeze %dma_start3A_26 : memref<1x512xf32, #tpu.memory_space<hbm>> -> memref<512xf32, #tpu.memory_space<hbm>>
    %dma_start3A_28 = tpu.memref_slice %arg4[%dma_start3A_25, %mul3A_24] : memref<2x16384xf32, #tpu.memory_space<hbm>> -> memref<1x512xf32, #tpu.memory_space<hbm>>
    %dma_start3A_29 = tpu.memref_squeeze %dma_start3A_28 : memref<1x512xf32, #tpu.memory_space<hbm>> -> memref<512xf32, #tpu.memory_space<hbm>>
    tpu.enqueue_dma source(%arg6 : memref<512xf32, #tpu.memory_space<vmem>>) target(%dma_start3A_29 : memref<512xf32, #tpu.memory_space<hbm>>) target_semaphore(%arg10 : memref<!tpu.dma_semaphore, #tpu.memory_space<semaphore_mem>>)
    %mul3A_30 = arith.constant 512 : i32
    %mul3A_31 = arith.muli %add3A, %mul3A_30 : i32
    %dma_start3A_32 = arith.constant 1 : i32
    %dma_start3A_33 = tpu.memref_slice %arg4[%dma_start3A_32, %mul3A_31] : memref<2x16384xf32, #tpu.memory_space<hbm>> -> memref<1x512xf32, #tpu.memory_space<hbm>>
    %dma_start3A_34 = tpu.memref_squeeze %dma_start3A_33 : memref<1x512xf32, #tpu.memory_space<hbm>> -> memref<512xf32, #tpu.memory_space<hbm>>
    %dma_start3A_35 = tpu.memref_slice %arg4[%dma_start3A_32, %mul3A_31] : memref<2x16384xf32, #tpu.memory_space<hbm>> -> memref<1x512xf32, #tpu.memory_space<hbm>>
    %dma_start3A_36 = tpu.memref_squeeze %dma_start3A_35 : memref<1x512xf32, #tpu.memory_space<hbm>> -> memref<512xf32, #tpu.memory_space<hbm>>
    tpu.enqueue_dma source(%arg7 : memref<512xf32, #tpu.memory_space<vmem>>) target(%dma_start3A_36 : memref<512xf32, #tpu.memory_space<hbm>>) target_semaphore(%arg11 : memref<!tpu.dma_semaphore, #tpu.memory_space<semaphore_mem>>)
    %dma_wait3A_37 = arith.constant 0 : i32
    %dma_wait3A_38 = tpu.memref_slice %arg4[%dma_wait3A_37, %mul3A_24] : memref<2x16384xf32, #tpu.memory_space<hbm>> -> memref<1x512xf32, #tpu.memory_space<hbm>>
    %dma_wait3A_39 = tpu.memref_squeeze %dma_wait3A_38 : memref<1x512xf32, #tpu.memory_space<hbm>> -> memref<512xf32, #tpu.memory_space<hbm>>
    %dma_wait3A_40 = tpu.memref_slice %arg4[%dma_wait3A_37, %mul3A_24] : memref<2x16384xf32, #tpu.memory_space<hbm>> -> memref<1x512xf32, #tpu.memory_space<hbm>>
    %dma_wait3A_41 = tpu.memref_squeeze %dma_wait3A_40 : memref<1x512xf32, #tpu.memory_space<hbm>> -> memref<512xf32, #tpu.memory_space<hbm>>
    tpu.wait_dma2 semaphore(%arg10 : memref<!tpu.dma_semaphore, #tpu.memory_space<semaphore_mem>>) src(%arg6 : memref<512xf32, #tpu.memory_space<vmem>>) dst(%dma_wait3A_41 : memref<512xf32, #tpu.memory_space<hbm>>)
    %dma_wait3A_42 = arith.constant 1 : i32
    %dma_wait3A_43 = tpu.memref_slice %arg4[%dma_wait3A_42, %mul3A_31] : memref<2x16384xf32, #tpu.memory_space<hbm>> -> memref<1x512xf32, #tpu.memory_space<hbm>>
    %dma_wait3A_44 = tpu.memref_squeeze %dma_wait3A_43 : memref<1x512xf32, #tpu.memory_space<hbm>> -> memref<512xf32, #tpu.memory_space<hbm>>
    %dma_wait3A_45 = tpu.memref_slice %arg4[%dma_wait3A_42, %mul3A_31] : memref<2x16384xf32, #tpu.memory_space<hbm>> -> memref<1x512xf32, #tpu.memory_space<hbm>>
    %dma_wait3A_46 = tpu.memref_squeeze %dma_wait3A_45 : memref<1x512xf32, #tpu.memory_space<hbm>> -> memref<512xf32, #tpu.memory_space<hbm>>
    tpu.wait_dma2 semaphore(%arg11 : memref<!tpu.dma_semaphore, #tpu.memory_space<semaphore_mem>>) src(%arg7 : memref<512xf32, #tpu.memory_space<vmem>>) dst(%dma_wait3A_46 : memref<512xf32, #tpu.memory_space<hbm>>)
    return
  }
}

</mosaic_0001>

<sc_bundles>
// kernel: kernel.3.cloned.1.call-start
scs
__scs_entry_jumppad:
0x0: {  	(pc) =	sbr.rel $0x88, $3  }
0x1: {  	(tag) =	ssettag $0x0;
	lr =	simm.s32 $0x1  }
0x2: {  	[smem:$0x3F9F] =	sst lr;
	_ =	strace $0xD0000000  }
0x3: {  	_ = 	snop  }
0x4: {  	_ = 	snop  }
0x5: {  	_ = 	snop  }
0x6: {  	_ = 	snop  }
0x7: {  	_ = 	snop  }
__scs_overlays_trampoline_lowered:
0x8: {  	[smem:$0x3FAE] =	sst s0  }
0x9: {  	[smem:$0x3FAF] =	sst s1  }
0xa: {  	[smem:$0x3FB0] =	sst s2  }
0xb: {  	[smem:$0x3FB1] =	sst s3  }
0xc: {  	[smem:$0x3FB2] =	sst s4  }
0xd: {  	[smem:$0x3FB3] =	sst s5  }
0xe: {  	[smem:$0x3FB4] =	sst s6  }
0xf: {  	[smem:$0x3FB5] =	sst s7  }
0x10: {  	[smem:$0x3FB6] =	sst s8  }
0x11: {  	[smem:$0x3FB7] =	sst s9;
	s0 =	simm.s32 @!p0 $0x0  }
0x12: {  	s1 =	sld [smem:$0x3F9D];
	s0 =	simm.s32 @p0 $0x1  }
0x13: {  	[smem:$0x3FB8] =	sst s0;
	s0 =	simm.s32 @!p1 $0x0  }
0x14: {  	s2 =	sld [smem:$0x3F9C];
	s0 =	simm.s32 @p1 $0x1  }
0x15: {  	[smem:$0x3FB9] =	sst s0;
	s0 =	simm.s32 @!p2 $0x0  }
0x16: {  	s3 =	sld [smem:$0x3FDB];
	s0 =	simm.s32 @p2 $0x1  }
0x17: {  	s4 =	simm.s32 $0x1BF5;
	[smem:$0x3FBB] =	sst s0  }
0x18: {  	s0 =	sld [smem:$0x3F9E];
	_ =	swait.ge [sflag:s4], $0x0  }
0x19: {  	s7 =	sld [smem:$0x3F9F]  }
0x1a: {  	s8 =	sadd.s32 $0xFFFFE003, lr  }
0x1b: {  	s9 =	sadd.s32 $0xFFFFFEF7, lr;
	s5 =	simm.s32 $0xFFFFFFFF;
	p2 =	slt.u32 s8, $0xFFFFF086  }
0x1c: {  	p1 =	slt.u32 s9, $0xF7A;
	s5 =	simm.s32 @!p2 $0x0  }
0x1d: {  	s5 =	simm.s32 @p1 $0x1;
	p0 =	seq.s32 s7, s2  }
0x1e: {  	s7 =	smul.u32 @!p0 $0xF7A, s2;
	p2 =	seq.s32 @!p0 s5, $0x0  }
0x1f: {  	s9 =	smul.u32 $0xF7A, s1;
	s8 =	simm.s32 @!p0 $0x1BF5;
	p2 =	por !p2, p0  }
0x20: {  	[sflag:s8] =	ssyncset.s32 @!p0 $0xFFFFF086;
	s6 =	sadd.s32 @!p0 s3, s7;
	s7 =	simm.s32 @!p0 $0x108  }
0x21: {  	s3 =	sadd.s32 s3, s9;
	s6 =	sadd.s32 @!p0 $0x88, s6;
	s7 =	simm.s32 @p2 $0x1082  }
0x22: {  	[simem:s7], [sflag:s8] =	dma.local @!p0 [hbm:s6], $0xF7A  }
0x23: {  	s9 =	sor.u32 $0xD0000000, s2;
	s6 =	simm.s32 $0x108;
	_ =	swait.ge @!p0 [sflag:s8], $0x0  }
0x24: {  	s3 =	sadd.s32 $0x88, s3;
	s6 =	simm.s32 @!p1 $0x1082;
	[sflag:s4] =	ssyncset.s32 $0xFFFFF086  }
0x25: {  	[simem:s6], [sflag:s4] =	dma.local [hbm:s3], $0xF7A  }
0x26: {  	[smem:$0x3F9F] =	sst s1;
	(tag) =	ssettag s2;
	_ =	strace s9  }
0x27: {  	s1 =	sld [smem:$0x3FAF]  }
0x28: {  	s2 =	sld [smem:$0x3FB0]  }
0x29: {  	s4 =	sld [smem:$0x3FB2]  }
0x2a: {  	p0 =	seq.s32 s5, $0x0;
	s5 =	sld [smem:$0x3FB3]  }
0x2b: {  	s6 =	sld [smem:$0x3FB4]  }
0x2c: {  	s7 =	sld [smem:$0x3FB5]  }
0x2d: {  	s3 =	simm.s32 $0x108;
	s8 =	sld [smem:$0x3FB6]  }
0x2e: {  	s3 =	simm.s32 @!p0 $0x1082;
	s9 =	sld [smem:$0x3FB7]  }
0x2f: {  	lr =	sadd.s32 s0, s3;
	s0 =	sld [smem:$0x3FAE]  }
0x30: {  	s3 =	sld [smem:$0x3FB1]  }
0x31: {  	[smem:$0x3FBA] =	sst s10  }
0x32: {  	s10 =	sld [smem:$0x3FB8];
	_ =	sdelay $0x3  }
0x33: {  	p0 =	seq.s32 s10, $0x1;
	s10 =	sld [smem:$0x3FBA];
	_ =	sdelay $0x3  }
0x34: {  	[smem:$0x3FBA] =	sst s10  }
0x35: {  	s10 =	sld [smem:$0x3FB9];
	_ =	sdelay $0x3  }
0x36: {  	p1 =	seq.s32 s10, $0x1;
	s10 =	sld [smem:$0x3FBA];
	_ =	sdelay $0x3  }
0x37: {  	[smem:$0x3FBA] =	sst s10  }
0x38: {  	s10 =	sld [smem:$0x3FBB]  }
0x39: {  	_ = 	snop;
	(pc) =	sbr.ind lr, $3  }
0x3a: {  	_ = 	snop  }
0x3b: {  	_ = 	snop  }
0x3c: {  	p2 =	seq.s32 s10, $0x1;
	s10 =	sld [smem:$0x3FBA]  }
0x3d: {  	_ =	shalt  }
0x3e: {  	_ =	shalt  }
0x3f: {  	_ =	shalt  }
0x40: {  	_ =	shalt  }
0x41: {  	_ =	shalt  }
0x42: {  	_ =	shalt  }
0x43: {  	_ =	shalt  }
0x44: {  	_ =	shalt  }
0x45: {  	_ =	shalt  }
0x46: {  	_ =	shalt  }
0x47: {  	_ =	shalt  }
0x48: {  	_ =	shalt  }
0x49: {  	_ =	shalt  }
0x4a: {  	_ =	shalt  }
0x4b: {  	_ =	shalt  }
0x4c: {  	_ =	shalt  }
0x4d: {  	_ =	shalt  }
0x4e: {  	_ =	shalt  }
0x4f: {  	_ =	shalt  }
0x50: {  	_ =	shalt  }
0x51: {  	_ =	shalt  }
0x52: {  	_ =	shalt  }
0x53: {  	_ =	shalt  }
0x54: {  	_ =	shalt  }
0x55: {  	_ =	shalt  }
0x56: {  	_ =	shalt  }
0x57: {  	_ =	shalt  }
0x58: {  	_ =	shalt  }
0x59: {  	_ =	shalt  }
0x5a: {  	_ =	shalt  }
0x5b: {  	_ =	shalt  }
0x5c: {  	_ =	shalt  }
0x5d: {  	_ =	shalt  }
0x5e: {  	_ =	shalt  }
0x5f: {  	_ =	shalt  }
0x60: {  	_ =	shalt  }
0x61: {  	_ =	shalt  }
0x62: {  	_ =	shalt  }
0x63: {  	_ =	shalt  }
0x64: {  	_ =	shalt  }
0x65: {  	_ =	shalt  }
0x66: {  	_ =	shalt  }
0x67: {  	_ =	shalt  }
0x68: {  	_ =	shalt  }
0x69: {  	_ =	shalt  }
0x6a: {  	_ =	shalt  }
0x6b: {  	_ =	shalt  }
0x6c: {  	_ =	shalt  }
0x6d: {  	_ =	shalt  }
0x6e: {  	_ =	shalt  }
0x6f: {  	_ =	shalt  }
0x70: {  	_ =	shalt  }
0x71: {  	_ =	shalt  }
0x72: {  	_ =	shalt  }
0x73: {  	_ =	shalt  }
0x74: {  	_ =	shalt  }
0x75: {  	_ =	shalt  }
0x76: {  	_ =	shalt  }
0x77: {  	_ =	shalt  }
0x78: {  	_ =	shalt  }
0x79: {  	_ =	shalt  }
0x7a: {  	_ =	shalt  }
0x7b: {  	_ =	shalt  }
0x7c: {  	_ =	shalt  }
0x7d: {  	_ =	shalt  }
0x7e: {  	_ =	shalt  }
0x7f: {  	_ =	shalt  }
0x80: {  	_ =	shalt  }
0x81: {  	_ =	shalt  }
0x82: {  	_ =	shalt  }
0x83: {  	_ =	shalt  }
0x84: {  	_ =	shalt  }
0x85: {  	_ =	shalt  }
0x86: {  	_ =	shalt  }
0x87: {  	_ =	shalt  }
.Lfunc_end0:
.L_simem_size_0:
called_computation_lowered:
.L_overlay_start_0:
0x88: {  	s2 =	sld [smem:$0x3FD9]  }
0x89: {  	s3 =	sld [smem:$0x3FFE];
	_ =	sdelay $0x1  }
0x8a: {  	s1 =	srdreg.scid  }
0x8b: {  	s0 =	sand.u32 $0x1, s1  }
0x8c: {  	s18 =	sshll.u32 s0, $0xA;
	s2 =	sadd.s32 s3, s2  }
0x8d: {  	s2 =	sadd.s32 s2, s18  }
0x8e: {  	[smem:$0x3FC6] =	sst s2  }
0x8f: {  	_ = 	snop  }
0x90: {  	s2 =	sld [smem:$0x3FC9]  }
0x91: {  	s19 =	sld [smem:$0x3FC8]  }
0x92: {  	s4 =	sld [smem:$0x3FD0];
	(tm) =	ssettm $0x1  }
0x93: {  	s5 =	sld [smem:$0x3FFB];
	_ =	sdelay $0x3  }
0x94: {  	_ =	strace s5  }
0x95: {  	s5 =	sld [smem:$0x3FFC];
	_ =	sdelay $0x3  }
0x96: {  	_ =	strace s5  }
0x97: {  	s5 =	sld [smem:$0x3FFD];
	_ =	sdelay $0x3  }
0x98: {  	_ =	strace s5  }
0x99: {  	_ =	strace $0x8FFFFFFF  }
0x9a: {  	s20 =	sld [smem:$0x3FDB];
	_ =	sdelay $0x1  }
0x9b: {  	s6 =	simm.s32 $_scs_section_size  }
0x9c: {  	s7 =	simm.s32 $_size__tile_overlayer_lowered;
	s8 =	simm.s32 $_tile_overlayer_lowered  }
0x9d: {  	s23 =	simm.s32 $0x1BFF;
	s22 =	sshll.u32 s8, $0x1;
	s5 =	sadd.s32 s6, s20  }
0x9e: {  	s9 =	simm.s32 $0x0;
	s21 =	sshll.u32 s7, $0x1;
	s7 =	sadd.s32 s22, s5  }
0x9f: {  	[timem:s9], [sflag:s23] =	dma.local [hbm:s7], s21  }
0xa0: {  	_ =	swait.ge [sflag:s23], s21  }
0xa1: {  	s6 =	ssub.s32 $0x0, s21;
	[sflag:s23] =	ssyncset.done $0x0  }
0xa2: {  	[sflag:s23] =	ssyncadd.s32 s6;
	_ =	sdelay $0x1  }
0xa3: {  	s24 =	simm.s32 $0x1B8B  }
0xa4: {  	_ =	swait.ge [sflag:s24], $0x1  }
0xa5: {  	[sflag:s24] =	ssyncset.done $0x0  }
0xa6: {  	s25 =	simm.s32 $0x1B8E;
	[sflag:s24] =	ssyncadd.s32 $0xFFFFFFFF  }
0xa7: {  	s26 =	simm.s32 $execute0_lowered;
	[smem:$0x3FD2] =	sst s25  }
0xa8: {  	s6 =	sshll.u32 s26, $0x1;
	_ =	strace $0x80000046;
	[dreg:$0x1] =	wrdreg $0xFFFFFFFF  }
0xa9: {  	s28 =	simm.s32 $_size_execute0_lowered;
	s5 =	sadd.s32 s5, s6;
	[dreg:$0x0] =	wrdreg $0x0  }
0xaa: {  	s6 =	sshll.u32 s28, $0x1;
	[dreg:$0x2] =	wrdreg s5  }
0xab: {  	[dreg:$0x3] =	wrdreg s6  }
0xac: {  	[dreg:$0x4] =	wrdreg $0xC0  }
0xad: {  	_ =	task [dreg:s9], $0x5FFFF  }
0xae: {  	[dreg:$0x1] =	wrdreg $0xFFFFFFFF  }
0xaf: {  	[dreg:$0x0] =	wrdreg $0x60  }
0xb0: {  	[dreg:$0x2] =	wrdreg s2  }
0xb1: {  	[dreg:$0x3] =	wrdreg s19  }
0xb2: {  	[dreg:$0x4] =	wrdreg s4  }
0xb3: {  	[dreg:$0x5] =	wrdreg $0x37000  }
0xb4: {  	[dreg:$0x6] =	wrdreg $0x9  }
0xb5: {  	_ =	task.clear_ibuf [dreg:s9], $0x7FFFF;
	_ =	strace $0x90000046  }
0xb6: {  	s29 =	simm.s32 $0x9;
	_ =	strace $0x80000048  }
0xb7: {  	_ =	swait.ge [sflag:s29], $0x1  }
0xb8: {  	[sflag:s29] =	ssyncadd.s32 $0xFFFFFFFF  }
0xb9: {  	_ =	strace $0x90000048  }
0xba: {  	_ =	sfence  }
0xbb: {  	s30 =	sld [smem:$0x0];
	_ =	sdelay $0x2  }
0xbc: {  	s31 =	sshll.u32 s1, $0xD;
	s1 =	sshrl.u32 s1, $0x2  }
0xbd: {  	s3 =	sand.u32 $0x4000, s31;
	s1 =	sadd.s32 s1, s30  }
0xbe: {  	s0 =	sor.u32 s3, s0;
	s1 =	sshll.u32 s1, $0x11  }
0xbf: {  	s0 =	sor.u32 s1, s0  }
0xc0: {  	s0 =	sadd.s32 $0x8F2B, s0  }
0xc1: {  	[sflag:s0] =	ssyncadd.remote.s32 $0x1  }
0xc2: {  	_ =	sfence.sel $0xFFFF  }
0xc3: {  	[dreg:$0x0] =	wrdreg $0xFFFFFFFF;
	(pc) =	sbr.abs _section_cstart, $3  }
0xc4: {  	[dreg:$0x1] =	wrdreg $0xFFFFFFFF  }
0xc5: {  	_ =	task.clear_ibuf [dreg:s9], $0x2FFFF;
	_ =	strace $0x9FFFFFFF  }
0xc6: {  	(tm) =	ssettm $0x7FFFFFFF  }
0xc7: {  	_ =	shalt  }
tec
execute0_lowered:
.L_overlay_start_1:
0x0: {  	(tag) =	ssettag $0x1  }
0x1: {  	s4 =	rddreg [dreg:$0x0]  }
0x2: {  	s11 =	rddreg [dreg:$0x1]  }
0x3: {  	s14 =	rddreg [dreg:$0x2]  }
0x4: {  	s1 =	rddreg [dreg:$0x3];
	s2 =	simm.s32 $0x0;
	s3 =	srdreg.scid  }
0x5: {  	s18 =	simm.s32 $0x4;
	s19 =	simm.s32 $0x600;
	s20 =	simm.s32 $0x680  }
0x6: {  	s21 =	simm.s32 $0x1;
	s22 =	simm.s32 $0x200;
	s23 =	simm.s32 $0x400  }
0x7: {  	s24 =	simm.s32 $0x2;
	s25 =	simm.s32 $0x80;
	s28 =	simm.s32 $0x3  }
0x8: {  	s29 =	simm.s32 $0x0;
	[smem:$0x7FF] =	sst s2;
	s5 =	sand.u32 $0x1, s3  }
0x9: {  	s3 =	stileid.u32;
	s10 =	sadd.s32 $0x2F680, s1;
	s13 =	sadd.s32 $0x30D80, s1  }
0xa: {  	_ =	strace $0x80000047;
	s6 =	ssub.s32 $0x2, s5;
	s8 =	smul.u32 $0x6200, s3  }
0xb: {  	s7 =	sshll.u32 s3, $0xA;
	s5 =	sshll.u32 s5, $0x9;
	s26 =	smul.u32 $0x620, s3  }
0xc: {  	p0 =	seq.s32 s3, $0xF;
	s9 =	sshrl.u32 s6, $0x1;
	s12 =	sor.u32 s5, s7  }
0xd: {  	s17 =	ssub.s32 s6, s9;
	s30 =	sshrl.u32 s12, $0x3;
	s31 =	sshrl.u32 s8, $0x2  }
.Ltmp0:
0xe: {  	s5 =	sadd.s32 s11, s26;
	s8 =	sadd.s32 $0x5BE0, s11;
	(pc) =	sbr.rel .LBB2_1-.Ltmp0, $4  }
0xf: {  	s9 =	sadd.s32 $0x16F80, s1;
	s11 =	sadd.s32 $0x61A0, s11;
	s15 =	sshrl.u32 s12, $0x2  }
0x10: {  	s12 =	sadd.s32 $0x18680, s1;
	s26 =	simm.s32 $0x100;
	s4 =	sadd.s32 s4, s30  }
0x11: {  	s6 =	sadd.s32 s31, s1;
	s14 =	sadd.s32 s14, s15;
	s15 =	sadd.s32 $0x18700, s1  }
0x12: {  	s17 =	smax.u32 s17, $0x1;
	s7 =	sadd.s32 $0x18700, s6;
	s16 =	sadd.s32 $0x10, s14  }
.LBB2_11:
0x13: {  	_ =	swait.ge [sflag:s18], $0x1700  }
0x14: {  	[sflag:s18] =	ssyncset.done $0x0  }
0x15: {  	[sflag:s18] =	ssyncadd.s32 $0xFFFFE900  }
0x16: {  	[tilespmem:s19], [sflag:$0x4] =	stream.linear.gather [hbm4b:s11+s2], $0x100, $0x38;
	[tilespmem:$0x67E0] =	vst v63  }
0x17: {  	_ =	swait.ge [sflag:s18], $0x100  }
0x18: {  	[sflag:s18] =	ssyncset.done $0x0  }
0x19: {  	[sflag:s18] =	ssyncadd.s32 $0xFFFFFF00  }
0x1a: {  	[spmem:s12] =	stream.linear.scatter [tilespmem:s19], [sflag:$0x4], $0x80, $0x38;
	[tilespmem:$0x67E0] =	vst v63  }
0x1b: {  	_ =	swait.ge [sflag:s18], $0x80  }
0x1c: {  	[sflag:s18] =	ssyncset.done $0x0  }
0x1d: {  	[sflag:s18] =	ssyncadd.s32 $0xFFFFFF80  }
0x1e: {  	[spmem:s13] =	stream.linear.scatter [tilespmem:s20], [sflag:$0x4], $0x80, $0x38;
	[tilespmem:$0x67E0] =	vst v63  }
0x1f: {  	_ =	swait.ge [sflag:s18], $0x80  }
0x20: {  	[sflag:s18] =	ssyncset.done $0x0  }
0x21: {  	[sflag:s18] =	ssyncadd.s32 $0xFFFFFF80  }
.LBB2_12:
0x22: {  	_ =	swait.ge [sflag:s21], $0x200  }
0x23: {  	[sflag:s21] =	ssyncset.done $0x0  }
0x24: {  	[sflag:s21] =	ssyncadd.s32 $0xFFFFFE00  }
0x25: {  	[bflag:$0x0] =	sbarrier.arrive $0xFFFF  }
0x26: {  	[tilespmem:s22], [sflag:$0x1] =	stream.indirect.gather [spmem:s1], $0x1, s2, s22, $0xb8;
	[tilespmem:$0x67E0] =	vst v63  }
0x27: {  	_ = 	snop  }
0x28: {  	[tilespmem:s23], [sflag:$0x2] =	stream.indirect.gather [spmem:s15], $0x1, s2, s22, $0xb8;
	[tilespmem:$0x67E0] =	vst v63  }
0x29: {  	_ =	swait.ge [sflag:s21], $0x200  }
0x2a: {  	[sflag:s21] =	ssyncset.done $0x0  }
0x2b: {  	[sflag:s21] =	ssyncadd.s32 $0xFFFFFE00  }
0x2c: {  	_ =	swait.ge [sflag:s24], $0x200  }
0x2d: {  	[sflag:s24] =	ssyncset.done $0x0  }
0x2e: {  	[sflag:s24] =	ssyncadd.s32 $0xFFFFFE00  }
0x2f: {  	[hbm4b:s14+s25] =	stream.strided.scatter [tilespmem:s22], [sflag:$0x1], $0x200, s26, s25, $0x38;
	[tilespmem:$0x67E0] =	vst v63  }
0x30: {  	s29 =	sadd.s32 $0x1, s29  }
0x31: {  	[hbm4b:s16+s25] =	stream.strided.scatter [tilespmem:s23], [sflag:$0x2], $0x200, s26, s25, $0x38;
	[tilespmem:$0x67E0] =	vst v63  }
0x32: {  	p1 =	sne.s32 s29, s17;
	_ =	swait.ge [sflag:s21], $0x200  }
.Ltmp1:
0x33: {  	[sflag:s21] =	ssyncset.done $0x0;
	(pc) =	sbr.rel @!p1 .LBB2_13-.Ltmp1, $4  }
0x34: {  	[sflag:s21] =	ssyncadd.s32 $0xFFFFFE00  }
0x35: {  	_ =	swait.ge [sflag:s24], $0x200  }
0x36: {  	[sflag:s24] =	ssyncset.done $0x0  }
0x37: {  	[sflag:s24] =	ssyncadd.s32 $0xFFFFFE00  }
.LBB2_1:
.Ltmp2:
0x38: {  	(pc) =	sbr.rel @!p0 .LBB2_2-.Ltmp2, $2  }
0x39: {  	_ =	sdelay $0x2  }
0x3a: {  	[tilespmem:s2], [sflag:$0x1] =	stream.linear.gather [hbm4b:s4+s2], $0x200, $0x38;
	[tilespmem:$0x67E0] =	vst v63  }
0x3b: {  	s0 =	simm.s32 $0x0;
	s30 =	simm.s32 $0x600  }
0x3c: {  	[tilespmem:s30], [sflag:$0x4] =	stream.linear.gather [hbm4b:s8+s0], $0x2E00, $0x38;
	[tilespmem:$0x67E0] =	vst v63  }
0x3d: {  	_ =	swait.ge [sflag:s18], $0x2E00  }
0x3e: {  	[sflag:s18] =	ssyncset.done $0x0  }
0x3f: {  	s31 =	simm.s32 $0x200;
	s0 =	sadd.s32 $0x0, s9;
	[sflag:s18] =	ssyncadd.s32 $0xFFFFD200  }
0x40: {  	[spmem:s0] =	stream.linear.scatter [tilespmem:s30], [sflag:$0x4], $0x80, $0x38;
	[tilespmem:$0x67E0] =	vst v63  }
.LBB2_8:
0x41: {  	p1 =	sne.s32 s31, $0x5A00  }
.Ltmp3:
0x42: {  	_ = 	snop;
	(pc) =	sbr.rel @p1 .LBB2_8-.Ltmp3, $4  }
0x43: {  	_ = 	snop  }
0x44: {  	s0 =	sshra.s32 s31, $0x2;
	s31 =	sadd.s32 $0x200, s31  }
0x45: {  	s30 =	sadd.s32 $0x100, s30;
	s0 =	sadd.s32 s0, s9  }
0x46: {  	[spmem:s0] =	stream.linear.scatter [tilespmem:s30], [sflag:$0x4], $0x80, $0x38;
	[tilespmem:$0x67E0] =	vst v63  }
0x47: {  	_ =	swait.ge [sflag:s18], $0x1700  }
0x48: {  	s30 =	simm.s32 $0x680;
	[sflag:s18] =	ssyncset.done $0x0  }
0x49: {  	s0 =	sadd.s32 $0x0, s10;
	s31 =	simm.s32 $0x200;
	[sflag:s18] =	ssyncadd.s32 $0xFFFFE900  }
0x4a: {  	[spmem:s0] =	stream.linear.scatter [tilespmem:s30], [sflag:$0x4], $0x80, $0x38;
	[tilespmem:$0x67E0] =	vst v63  }
.LBB2_10:
0x4b: {  	p1 =	sne.s32 s31, $0x5A00  }
.Ltmp4:
0x4c: {  	_ = 	snop;
	(pc) =	sbr.rel @p1 .LBB2_10-.Ltmp4, $4  }
0x4d: {  	_ = 	snop  }
0x4e: {  	s0 =	sshra.s32 s31, $0x2;
	s31 =	sadd.s32 $0x200, s31  }
0x4f: {  	s30 =	sadd.s32 $0x100, s30;
	s0 =	sadd.s32 s0, s10  }
0x50: {  	[spmem:s0] =	stream.linear.scatter [tilespmem:s30], [sflag:$0x4], $0x80, $0x38;
	[tilespmem:$0x67E0] =	vst v63  }
.Ltmp5:
0x51: {  	_ = 	snop;
	(pc) =	sbr.rel .LBB2_11-.Ltmp5, $1  }
0x52: {  	_ =	sdelay $0x3  }
.LBB2_2:
0x53: {  	s30 =	simm.s32 $0x0;
	s31 =	simm.s32 $0x600  }
0x54: {  	[tilespmem:s31], [sflag:$0x4] =	stream.linear.gather [hbm4b:s5+s30], $0x3100, $0x38;
	[tilespmem:$0x67E0] =	vst v63  }
0x55: {  	_ =	swait.ge [sflag:s18], $0x3100  }
0x56: {  	[sflag:s18] =	ssyncset.done $0x0  }
0x57: {  	[sflag:s18] =	ssyncadd.s32 $0xFFFFCF00  }
.LBB2_3:
0x58: {  	p1 =	sne.s32 s30, $0x6000  }
.Ltmp6:
0x59: {  	_ = 	snop;
	(pc) =	sbr.rel @p1 .LBB2_3-.Ltmp6, $4  }
0x5a: {  	s0 =	sshra.s32 s30, $0x2  }
0x5b: {  	s0 =	sadd.s32 s0, s6  }
0x5c: {  	[spmem:s0] =	stream.linear.scatter [tilespmem:s31], [sflag:$0x2], $0x80, $0x38;
	[tilespmem:$0x67E0] =	vst v63  }
0x5d: {  	s30 =	sadd.s32 $0x200, s30;
	s31 =	sadd.s32 $0x100, s31  }
0x5e: {  	s30 =	simm.s32 $0x680;
	s0 =	sadd.s32 $0x0, s7;
	s31 =	simm.s32 $0x200  }
0x5f: {  	[spmem:s0] =	stream.linear.scatter [tilespmem:s30], [sflag:$0x3], $0x80, $0x38;
	[tilespmem:$0x67E0] =	vst v63  }
.LBB2_5:
0x60: {  	p1 =	sne.s32 s31, $0x6000  }
.Ltmp7:
0x61: {  	_ = 	snop;
	(pc) =	sbr.rel @p1 .LBB2_5-.Ltmp7, $4  }
0x62: {  	_ = 	snop  }
0x63: {  	s0 =	sshra.s32 s31, $0x2;
	s31 =	sadd.s32 $0x200, s31  }
0x64: {  	s30 =	sadd.s32 $0x100, s30;
	s0 =	sadd.s32 s0, s7  }
0x65: {  	[spmem:s0] =	stream.linear.scatter [tilespmem:s30], [sflag:$0x3], $0x80, $0x38;
	[tilespmem:$0x67E0] =	vst v63  }
0x66: {  	_ =	swait.ge [sflag:s24], $0x1880  }
.Ltmp8:
0x67: {  	[sflag:s24] =	ssyncset.done $0x0;
	(pc) =	sbr.rel .LBB2_12-.Ltmp8, $4  }
0x68: {  	[sflag:s24] =	ssyncadd.s32 $0xFFFFE780  }
0x69: {  	_ =	swait.ge [sflag:s28], $0x1880  }
0x6a: {  	[sflag:s28] =	ssyncset.done $0x0  }
0x6b: {  	[sflag:s28] =	ssyncadd.s32 $0xFFFFE780  }
.LBB2_13:
0x6c: {  	_ =	sfence.sel $0x180000  }
0x6d: {  	[bflag:$0x0] =	sbarrier.arrive $0xFFFF  }
0x6e: {  	_ =	strace $0x90000047  }
0x6f: {  	[bflag:$0x2] =	sbarrier.arrive $0xFFFF  }
0x70: {  	p0 =	sne.s32 s3, $0x0;
	s0 =	rddreg [dreg:$0x4]  }
0x71: {  	s0 =	sadd.s32 @!p0 $0x100000, s0  }
0x72: {  	[sflag:s0] =	ssyncadd.tile.s32 @!p0 $0x1;
	_ =	shalt  }
.Lfunc_end2:
_tile_overlayer_lowered:
.L_overlay_start_2:
0x73: {  	(tag) =	ssettag $0x2  }
0x74: {  	s0 =	rddreg [dreg:$0x0];
	s2 =	stileid.u32  }
0x75: {  	s1 =	rddreg [dreg:$0x1];
	p0 =	sne.s32 s2, $0x0  }
0x76: {  	s3 =	rddreg [dreg:$0x2];
	[bflag:$0x3] =	sbarrier.arrive $0xFFFF;
	s2 =	simm.s32 @!p0 $0x1C04  }
0x77: {  	[timem:s3], [sflag:s2] =	dma.local @!p0 [hbm:s0], s1  }
0x78: {  	s0 =	simm.s32 @!p0 $0x4  }
0x79: {  	_ =	swait.ge @!p0 [sflag:s0], s1  }
0x7a: {  	s1 =	ssub.s32 @!p0 $0x0, s1;
	[sflag:s0] =	ssyncset.done @!p0 $0x0  }
0x7b: {  	[sflag:s0] =	ssyncadd.s32 @!p0 s1  }
0x7c: {  	[bflag:$0x3] =	sbarrier.arrive $0xFFFF  }
0x7d: {  	_ =	shalt  }

</sc_bundles>
